<compile_context>
chip_gen: v7x
topology: tpu7x:2x2x1
jax: 0.10.2.dev20260603
libtpu: 0.0.44.dev20260713+nightly
codegen_flags: <defaults>
</compile_context>

<pallas_src>
import functools
import jax
import jax.numpy as jnp
from jax import lax
from jax.experimental import pallas as pl
from jax.experimental.pallas import tpu as pltpu
from jax.experimental.pallas import tpu_sc as plsc

_B = 2048
_N = 128
_SLAB = _N * _N
_NBUF = 4


def kernel(x):
    info = plsc.get_sparse_core_info()
    nc, ns = info.num_cores, info.num_subcores
    nw = nc * ns
    bpw = _B // nw

    mesh = plsc.VectorSubcoreMesh(core_axis_name="c", subcore_axis_name="s")

    @functools.partial(
        pl.kernel,
        out_type=jax.ShapeDtypeStruct((_B * _SLAB,), jnp.float32),
        mesh=mesh,
        compiler_params=pltpu.CompilerParams(needs_layout_passes=False),
        scratch_types=(
            [pltpu.VMEM((_SLAB,), jnp.float32) for _ in range(_NBUF)]
            + [pltpu.VMEM((bpw, _N), jnp.float32)]
            + [pltpu.SemaphoreType.DMA for _ in range(_NBUF)]
        ),
    )
    def sc_diag(x_hbm, out_hbm, *rest):
        bufs = rest[:_NBUF]
        xall = rest[_NBUF]
        sems = rest[_NBUF + 1 : 2 * _NBUF + 1]
        wid = lax.axis_index("s") * nc + lax.axis_index("c")

        pltpu.sync_copy(x_hbm.at[pl.ds(wid * bpw, bpw)], xall)

        def zero_body(i, carry):
            z = jnp.zeros((16,), jnp.float32)
            for buf in bufs:
                buf[pl.ds(i * 16, 16)] = z
            return carry

        lax.fori_loop(0, _SLAB // 16, zero_body, 0)

        diag_idx = [
            (lax.iota(jnp.int32, 16) + j * 16) * (_N + 1)
            for j in range(_N // 16)
        ]

        def rounds_body(k, carry):
            for s in range(_NBUF):
                b = k * _NBUF + s

                @pl.when(k > 0)
                def _wait():
                    pltpu.make_async_copy(
                        out_hbm.at[pl.ds(0, _SLAB)], bufs[s], sems[s]
                    ).wait()

                for j in range(_N // 16):
                    v = xall[b, pl.ds(j * 16, 16)]
                    plsc.store_scatter(bufs[s], [diag_idx[j]], v)

                dst = out_hbm.at[pl.ds((wid * bpw + b) * _SLAB, _SLAB)]
                pltpu.async_copy(bufs[s], dst, sems[s])
            return carry

        lax.fori_loop(0, bpw // _NBUF, rounds_body, 0)

        for s in range(_NBUF):
            pltpu.make_async_copy(
                out_hbm.at[pl.ds(0, _SLAB)], bufs[s], sems[s]
            ).wait()

    return sc_diag(x).reshape(_B, _N, _N)

# --- scband reference (transcript-rebuilt; emitter-appended) ---
"""Pipeline reference for scband-triangular-9887014716182 (READ-ONLY COPY).

The authoritative reference and input builder live on the scoring server;
editing this copy changes nothing except your own understanding.
"""

import jax, jax.numpy as jnp
import numpy as np

DIM = 16
L2 = 8
N = L2 * DIM  # 128
B = 2048
X_IDX = jnp.arange(N, dtype=jnp.int32)
Y_IDX = jnp.arange(N, dtype=jnp.int32)


def setup_inputs(seed: int = 0) -> dict:
    key = jax.random.key(seed)
    x = jax.random.normal(key, (B, N), dtype=jnp.float32)
    return {"x": x}


def reference(x):
    # Faithful translation of Triangular.forward:
    #   A = zeros([B, L2*dim, L2*dim]); A[:, x_indices, y_indices] = x
    b = x.shape[0]
    A = jnp.zeros((b, N, N), dtype=x.dtype)
    A = A.at[:, X_IDX, Y_IDX].set(x)
    return A

if __name__ == "__main__":
    import jax
    _d = setup_inputs()
    print(jax.jit(kernel)(*tuple(_d.values())))

</pallas_src>

<mosaic_0001>
#map = affine_map<(d0, d1) -> (0, 0)>
#map1 = affine_map<(d0, d1) -> (0)>
module attributes {stable_mosaic.version = 14 : i64} {
  func.func @sc_diag(%arg0: i32, %arg1: i32, %arg2: memref<2048x128xf32, #tpu.memory_space<hbm>>, %arg3: memref<33554432xf32, #tpu.memory_space<hbm>>, %arg4: memref<16384xf32, #tpu.memory_space<vmem>>, %arg5: memref<16384xf32, #tpu.memory_space<vmem>>, %arg6: memref<16384xf32, #tpu.memory_space<vmem>>, %arg7: memref<16384xf32, #tpu.memory_space<vmem>>, %arg8: memref<64x128xf32, #tpu.memory_space<vmem>>, %arg9: memref<!tpu.dma_semaphore, #tpu.memory_space<semaphore_mem>>, %arg10: memref<!tpu.dma_semaphore, #tpu.memory_space<semaphore_mem>>, %arg11: memref<!tpu.dma_semaphore, #tpu.memory_space<semaphore_mem>>, %arg12: memref<!tpu.dma_semaphore, #tpu.memory_space<semaphore_mem>>) attributes {dimension_semantics = [#tpu.dimension_semantics<core_parallel>, #tpu.dimension_semantics<subcore_parallel>], iteration_bounds = array<i64: 2, 16>, scalar_prefetch = 0 : i64, scratch_operands = 9 : i64, tpu.core_type = #tpu.core_type<sc_vector_subcore>, window_params = [{transform_indices = #map}, {transform_indices = #map1}]} {
    %mul3A = arith.constant 2 : i32
    %mul3A_0 = arith.muli %arg1, %mul3A : i32
    %add3A = arith.addi %mul3A_0, %arg0 : i32
    %mul3A_1 = arith.constant 64 : i32
    %mul3A_2 = arith.muli %add3A, %mul3A_1 : i32
    "tpu.region"() ({
      %run_scoped3A = tpu.sem_alloc : memref<!tpu.dma_semaphore, #tpu.memory_space<semaphore_mem>>
      %dma_start3A = arith.constant 0 : i32
      %dma_start3A_84 = tpu.memref_slice %arg2[%mul3A_2, %dma_start3A] : memref<2048x128xf32, #tpu.memory_space<hbm>> -> memref<64x128xf32, #tpu.memory_space<hbm>>
      %dma_start3A_85 = arith.constant 0 : i32
      %dma_start3A_86 = tpu.memref_slice %arg2[%mul3A_2, %dma_start3A_85] : memref<2048x128xf32, #tpu.memory_space<hbm>> -> memref<64x128xf32, #tpu.memory_space<hbm>>
      tpu.enqueue_dma source(%dma_start3A_86 : memref<64x128xf32, #tpu.memory_space<hbm>>) target(%arg8 : memref<64x128xf32, #tpu.memory_space<vmem>>) target_semaphore(%run_scoped3A : memref<!tpu.dma_semaphore, #tpu.memory_space<semaphore_mem>>)
      %dma_wait3A_87 = arith.constant 0 : i32
      %dma_wait3A_88 = tpu.memref_slice %arg2[%mul3A_2, %dma_wait3A_87] : memref<2048x128xf32, #tpu.memory_space<hbm>> -> memref<64x128xf32, #tpu.memory_space<hbm>>
      %dma_wait3A_89 = arith.constant 0 : i32
      %dma_wait3A_90 = tpu.memref_slice %arg2[%mul3A_2, %dma_wait3A_89] : memref<2048x128xf32, #tpu.memory_space<hbm>> -> memref<64x128xf32, #tpu.memory_space<hbm>>
      tpu.wait_dma2 semaphore(%run_scoped3A : memref<!tpu.dma_semaphore, #tpu.memory_space<semaphore_mem>>) src(%dma_wait3A_90 : memref<64x128xf32, #tpu.memory_space<hbm>>) dst(%arg8 : memref<64x128xf32, #tpu.memory_space<vmem>>)
      tpu.yield
    }) : () -> ()
    %scan3A = arith.constant 0 : i32
    %scan3A_3 = arith.constant 0 : i32
    %scan3A_4 = arith.constant 1024 : i32
    %scan3A_5 = arith.addi %scan3A_3, %scan3A_4 : i32
    %scan3A_6 = arith.constant 1 : i32
    scf.for %scan3A_84 = %scan3A_3 to %scan3A_5 step %scan3A_6  : i32 {
      %broadcast_in_dim3A = arith.constant 0.000000e+00 : f32
      %broadcast_in_dim3A_85 = vector.broadcast %broadcast_in_dim3A : f32 to vector<16xf32>
      %mul3A_86 = arith.constant 16 : i32
      %mul3A_87 = arith.muli %scan3A_84, %mul3A_86 : i32
      %swap3A = arith.index_cast %mul3A_87 : i32 to index
      %swap3A_88 = tpu.vector_load %arg4[%swap3A] {strides = array<i32>} : memref<16384xf32, #tpu.memory_space<vmem>>, vector<16xf32>,
      tpu.vector_store %arg4[%swap3A], %broadcast_in_dim3A_85 {strides = array<i32>} : memref<16384xf32, #tpu.memory_space<vmem>>, vector<16xf32>,
      %mul3A_89 = arith.constant 16 : i32
      %mul3A_90 = arith.muli %scan3A_84, %mul3A_89 : i32
      %swap3A_91 = arith.index_cast %mul3A_90 : i32 to index
      %swap3A_92 = tpu.vector_load %arg5[%swap3A_91] {strides = array<i32>} : memref<16384xf32, #tpu.memory_space<vmem>>, vector<16xf32>,
      tpu.vector_store %arg5[%swap3A_91], %broadcast_in_dim3A_85 {strides = array<i32>} : memref<16384xf32, #tpu.memory_space<vmem>>, vector<16xf32>,
      %mul3A_93 = arith.constant 16 : i32
      %mul3A_94 = arith.muli %scan3A_84, %mul3A_93 : i32
      %swap3A_95 = arith.index_cast %mul3A_94 : i32 to index
      %swap3A_96 = tpu.vector_load %arg6[%swap3A_95] {strides = array<i32>} : memref<16384xf32, #tpu.memory_space<vmem>>, vector<16xf32>,
      tpu.vector_store %arg6[%swap3A_95], %broadcast_in_dim3A_85 {strides = array<i32>} : memref<16384xf32, #tpu.memory_space<vmem>>, vector<16xf32>,
      %mul3A_97 = arith.constant 16 : i32
      %mul3A_98 = arith.muli %scan3A_84, %mul3A_97 : i32
      %swap3A_99 = arith.index_cast %mul3A_98 : i32 to index
      %swap3A_100 = tpu.vector_load %arg7[%swap3A_99] {strides = array<i32>} : memref<16384xf32, #tpu.memory_space<vmem>>, vector<16xf32>,
      tpu.vector_store %arg7[%swap3A_99], %broadcast_in_dim3A_85 {strides = array<i32>} : memref<16384xf32, #tpu.memory_space<vmem>>, vector<16xf32>,
    }
    %scan3A_7 = arith.constant 1024 : i32
    %iota3A = tpu.iota {dimensions = array<i32: 0>} : vector<16xi32>
    %add3A_8 = arith.constant 0 : i32
    %add3A_9 = vector.broadcast %add3A_8 : i32 to vector<16xi32>
    %add3A_10 = arith.addi %iota3A, %add3A_9 : vector<16xi32>
    %mul3A_11 = arith.constant 129 : i32
    %mul3A_12 = vector.broadcast %mul3A_11 : i32 to vector<16xi32>
    %mul3A_13 = arith.muli %add3A_10, %mul3A_12 : vector<16xi32>
    %iota3A_14 = tpu.iota {dimensions = array<i32: 0>} : vector<16xi32>
    %add3A_15 = arith.constant 16 : i32
    %add3A_16 = vector.broadcast %add3A_15 : i32 to vector<16xi32>
    %add3A_17 = arith.addi %iota3A_14, %add3A_16 : vector<16xi32>
    %mul3A_18 = arith.constant 129 : i32
    %mul3A_19 = vector.broadcast %mul3A_18 : i32 to vector<16xi32>
    %mul3A_20 = arith.muli %add3A_17, %mul3A_19 : vector<16xi32>
    %iota3A_21 = tpu.iota {dimensions = array<i32: 0>} : vector<16xi32>
    %add3A_22 = arith.constant 32 : i32
    %add3A_23 = vector.broadcast %add3A_22 : i32 to vector<16xi32>
    %add3A_24 = arith.addi %iota3A_21, %add3A_23 : vector<16xi32>
    %mul3A_25 = arith.constant 129 : i32
    %mul3A_26 = vector.broadcast %mul3A_25 : i32 to vector<16xi32>
    %mul3A_27 = arith.muli %add3A_24, %mul3A_26 : vector<16xi32>
    %iota3A_28 = tpu.iota {dimensions = array<i32: 0>} : vector<16xi32>
    %add3A_29 = arith.constant 48 : i32
    %add3A_30 = vector.broadcast %add3A_29 : i32 to vector<16xi32>
    %add3A_31 = arith.addi %iota3A_28, %add3A_30 : vector<16xi32>
    %mul3A_32 = arith.constant 129 : i32
    %mul3A_33 = vector.broadcast %mul3A_32 : i32 to vector<16xi32>
    %mul3A_34 = arith.muli %add3A_31, %mul3A_33 : vector<16xi32>
    %iota3A_35 = tpu.iota {dimensions = array<i32: 0>} : vector<16xi32>
    %add3A_36 = arith.constant 64 : i32
    %add3A_37 = vector.broadcast %add3A_36 : i32 to vector<16xi32>
    %add3A_38 = arith.addi %iota3A_35, %add3A_37 : vector<16xi32>
    %mul3A_39 = arith.constant 129 : i32
    %mul3A_40 = vector.broadcast %mul3A_39 : i32 to vector<16xi32>
    %mul3A_41 = arith.muli %add3A_38, %mul3A_40 : vector<16xi32>
    %iota3A_42 = tpu.iota {dimensions = array<i32: 0>} : vector<16xi32>
    %add3A_43 = arith.constant 80 : i32
    %add3A_44 = vector.broadcast %add3A_43 : i32 to vector<16xi32>
    %add3A_45 = arith.addi %iota3A_42, %add3A_44 : vector<16xi32>
    %mul3A_46 = arith.constant 129 : i32
    %mul3A_47 = vector.broadcast %mul3A_46 : i32 to vector<16xi32>
    %mul3A_48 = arith.muli %add3A_45, %mul3A_47 : vector<16xi32>
    %iota3A_49 = tpu.iota {dimensions = array<i32: 0>} : vector<16xi32>
    %add3A_50 = arith.constant 96 : i32
    %add3A_51 = vector.broadcast %add3A_50 : i32 to vector<16xi32>
    %add3A_52 = arith.addi %iota3A_49, %add3A_51 : vector<16xi32>
    %mul3A_53 = arith.constant 129 : i32
    %mul3A_54 = vector.broadcast %mul3A_53 : i32 to vector<16xi32>
    %mul3A_55 = arith.muli %add3A_52, %mul3A_54 : vector<16xi32>
    %iota3A_56 = tpu.iota {dimensions = array<i32: 0>} : vector<16xi32>
    %add3A_57 = arith.constant 112 : i32
    %add3A_58 = vector.broadcast %add3A_57 : i32 to vector<16xi32>
    %add3A_59 = arith.addi %iota3A_56, %add3A_58 : vector<16xi32>
    %mul3A_60 = arith.constant 129 : i32
    %mul3A_61 = vector.broadcast %mul3A_60 : i32 to vector<16xi32>
    %mul3A_62 = arith.muli %add3A_59, %mul3A_61 : vector<16xi32>
    %scan3A_63 = arith.constant 0 : i32
    %scan3A_64 = arith.constant 0 : i32
    %scan3A_65 = arith.constant 16 : i32
    %scan3A_66 = arith.addi %scan3A_64, %scan3A_65 : i32
    %scan3A_67 = arith.constant 1 : i32
    scf.for %scan3A_84 = %scan3A_64 to %scan3A_66 step %scan3A_67  : i32 {
      %mul3A_85 = arith.constant 4 : i32
      %mul3A_86 = arith.muli %scan3A_84, %mul3A_85 : i32
      %add3A_87 = arith.constant 0 : i32
      %add3A_88 = arith.addi %mul3A_86, %add3A_87 : i32
      %gt3A = arith.constant 0 : i32
      %gt3A_89 = arith.cmpi sgt, %scan3A_84, %gt3A : i32
      %convert_element_type3A = arith.extui %gt3A_89 : i1 to i32
      %cond3A = arith.constant 0 : i32
      %cond3A_90 = arith.cmpi ne, %convert_element_type3A, %cond3A : i32
      scf.if %cond3A_90 {
        %dma_wait3A_240 = arith.constant 0 : i32
        %dma_wait3A_241 = tpu.memref_slice %arg3[%dma_wait3A_240] : memref<33554432xf32, #tpu.memory_space<hbm>> -> memref<16384xf32, #tpu.memory_space<hbm>>
        %dma_wait3A_242 = arith.constant 0 : i32
        %dma_wait3A_243 = tpu.memref_slice %arg3[%dma_wait3A_242] : memref<33554432xf32, #tpu.memory_space<hbm>> -> memref<16384xf32, #tpu.memory_space<hbm>>
        tpu.wait_dma2 semaphore(%arg9 : memref<!tpu.dma_semaphore, #tpu.memory_space<semaphore_mem>>) src(%dma_wait3A_243 : memref<16384xf32, #tpu.memory_space<hbm>>) dst(%arg4 : memref<16384xf32, #tpu.memory_space<vmem>>)
      } else {
      }
      %get3A = arith.index_cast %add3A_88 : i32 to index
      %get3A_91 = arith.constant 0 : index
      %get3A_92 = tpu.vector_load %arg8[%get3A, %get3A_91] {strides = array<i32>} : memref<64x128xf32, #tpu.memory_space<vmem>>, vector<16xf32>,
      tpu.vector_store_idx %arg4[%mul3A_13], %get3A_92 : memref<16384xf32, #tpu.memory_space<vmem>>[vector<16xi32>], vector<16xf32>,
      %get3A_93 = arith.index_cast %add3A_88 : i32 to index
      %get3A_94 = arith.constant 16 : index
      %get3A_95 = tpu.vector_load %arg8[%get3A_93, %get3A_94] {strides = array<i32>} : memref<64x128xf32, #tpu.memory_space<vmem>>, vector<16xf32>,
      tpu.vector_store_idx %arg4[%mul3A_20], %get3A_95 : memref<16384xf32, #tpu.memory_space<vmem>>[vector<16xi32>], vector<16xf32>,
      %get3A_96 = arith.index_cast %add3A_88 : i32 to index
      %get3A_97 = arith.constant 32 : index
      %get3A_98 = tpu.vector_load %arg8[%get3A_96, %get3A_97] {strides = array<i32>} : memref<64x128xf32, #tpu.memory_space<vmem>>, vector<16xf32>,
      tpu.vector_store_idx %arg4[%mul3A_27], %get3A_98 : memref<16384xf32, #tpu.memory_space<vmem>>[vector<16xi32>], vector<16xf32>,
      %get3A_99 = arith.index_cast %add3A_88 : i32 to index
      %get3A_100 = arith.constant 48 : index
      %get3A_101 = tpu.vector_load %arg8[%get3A_99, %get3A_100] {strides = array<i32>} : memref<64x128xf32, #tpu.memory_space<vmem>>, vector<16xf32>,
      tpu.vector_store_idx %arg4[%mul3A_34], %get3A_101 : memref<16384xf32, #tpu.memory_space<vmem>>[vector<16xi32>], vector<16xf32>,
      %get3A_102 = arith.index_cast %add3A_88 : i32 to index
      %get3A_103 = arith.constant 64 : index
      %get3A_104 = tpu.vector_load %arg8[%get3A_102, %get3A_103] {strides = array<i32>} : memref<64x128xf32, #tpu.memory_space<vmem>>, vector<16xf32>,
      tpu.vector_store_idx %arg4[%mul3A_41], %get3A_104 : memref<16384xf32, #tpu.memory_space<vmem>>[vector<16xi32>], vector<16xf32>,
      %get3A_105 = arith.index_cast %add3A_88 : i32 to index
      %get3A_106 = arith.constant 80 : index
      %get3A_107 = tpu.vector_load %arg8[%get3A_105, %get3A_106] {strides = array<i32>} : memref<64x128xf32, #tpu.memory_space<vmem>>, vector<16xf32>,
      tpu.vector_store_idx %arg4[%mul3A_48], %get3A_107 : memref<16384xf32, #tpu.memory_space<vmem>>[vector<16xi32>], vector<16xf32>,
      %get3A_108 = arith.index_cast %add3A_88 : i32 to index
      %get3A_109 = arith.constant 96 : index
      %get3A_110 = tpu.vector_load %arg8[%get3A_108, %get3A_109] {strides = array<i32>} : memref<64x128xf32, #tpu.memory_space<vmem>>, vector<16xf32>,
      tpu.vector_store_idx %arg4[%mul3A_55], %get3A_110 : memref<16384xf32, #tpu.memory_space<vmem>>[vector<16xi32>], vector<16xf32>,
      %get3A_111 = arith.index_cast %add3A_88 : i32 to index
      %get3A_112 = arith.constant 112 : index
      %get3A_113 = tpu.vector_load %arg8[%get3A_111, %get3A_112] {strides = array<i32>} : memref<64x128xf32, #tpu.memory_space<vmem>>, vector<16xf32>,
      tpu.vector_store_idx %arg4[%mul3A_62], %get3A_113 : memref<16384xf32, #tpu.memory_space<vmem>>[vector<16xi32>], vector<16xf32>,
      %mul3A_114 = arith.constant 64 : i32
      %mul3A_115 = arith.muli %add3A, %mul3A_114 : i32
      %add3A_116 = arith.addi %mul3A_115, %add3A_88 : i32
      %mul3A_117 = arith.constant 16384 : i32
      %mul3A_118 = arith.muli %add3A_116, %mul3A_117 : i32
      %dma_start3A = tpu.memref_slice %arg3[%mul3A_118] : memref<33554432xf32, #tpu.memory_space<hbm>> -> memref<16384xf32, #tpu.memory_space<hbm>>
      %dma_start3A_119 = tpu.memref_slice %arg3[%mul3A_118] : memref<33554432xf32, #tpu.memory_space<hbm>> -> memref<16384xf32, #tpu.memory_space<hbm>>
      tpu.enqueue_dma source(%arg4 : memref<16384xf32, #tpu.memory_space<vmem>>) target(%dma_start3A_119 : memref<16384xf32, #tpu.memory_space<hbm>>) target_semaphore(%arg9 : memref<!tpu.dma_semaphore, #tpu.memory_space<semaphore_mem>>)
      %mul3A_120 = arith.constant 4 : i32
      %mul3A_121 = arith.muli %scan3A_84, %mul3A_120 : i32
      %add3A_122 = arith.constant 1 : i32
      %add3A_123 = arith.addi %mul3A_121, %add3A_122 : i32
      %gt3A_124 = arith.constant 0 : i32
      %gt3A_125 = arith.cmpi sgt, %scan3A_84, %gt3A_124 : i32
      %convert_element_type3A_126 = arith.extui %gt3A_125 : i1 to i32
      %cond3A_127 = arith.constant 0 : i32
      %cond3A_128 = arith.cmpi ne, %convert_element_type3A_126, %cond3A_127 : i32
      scf.if %cond3A_128 {
        %dma_wait3A_240 = arith.constant 0 : i32
        %dma_wait3A_241 = tpu.memref_slice %arg3[%dma_wait3A_240] : memref<33554432xf32, #tpu.memory_space<hbm>> -> memref<16384xf32, #tpu.memory_space<hbm>>
        %dma_wait3A_242 = arith.constant 0 : i32
        %dma_wait3A_243 = tpu.memref_slice %arg3[%dma_wait3A_242] : memref<33554432xf32, #tpu.memory_space<hbm>> -> memref<16384xf32, #tpu.memory_space<hbm>>
        tpu.wait_dma2 semaphore(%arg10 : memref<!tpu.dma_semaphore, #tpu.memory_space<semaphore_mem>>) src(%dma_wait3A_243 : memref<16384xf32, #tpu.memory_space<hbm>>) dst(%arg5 : memref<16384xf32, #tpu.memory_space<vmem>>)
      } else {
      }
      %get3A_129 = arith.index_cast %add3A_123 : i32 to index
      %get3A_130 = arith.constant 0 : index
      %get3A_131 = tpu.vector_load %arg8[%get3A_129, %get3A_130] {strides = array<i32>} : memref<64x128xf32, #tpu.memory_space<vmem>>, vector<16xf32>,
      tpu.vector_store_idx %arg5[%mul3A_13], %get3A_131 : memref<16384xf32, #tpu.memory_space<vmem>>[vector<16xi32>], vector<16xf32>,
      %get3A_132 = arith.index_cast %add3A_123 : i32 to index
      %get3A_133 = arith.constant 16 : index
      %get3A_134 = tpu.vector_load %arg8[%get3A_132, %get3A_133] {strides = array<i32>} : memref<64x128xf32, #tpu.memory_space<vmem>>, vector<16xf32>,
      tpu.vector_store_idx %arg5[%mul3A_20], %get3A_134 : memref<16384xf32, #tpu.memory_space<vmem>>[vector<16xi32>], vector<16xf32>,
      %get3A_135 = arith.index_cast %add3A_123 : i32 to index
      %get3A_136 = arith.constant 32 : index
      %get3A_137 = tpu.vector_load %arg8[%get3A_135, %get3A_136] {strides = array<i32>} : memref<64x128xf32, #tpu.memory_space<vmem>>, vector<16xf32>,
      tpu.vector_store_idx %arg5[%mul3A_27], %get3A_137 : memref<16384xf32, #tpu.memory_space<vmem>>[vector<16xi32>], vector<16xf32>,
      %get3A_138 = arith.index_cast %add3A_123 : i32 to index
      %get3A_139 = arith.constant 48 : index
      %get3A_140 = tpu.vector_load %arg8[%get3A_138, %get3A_139] {strides = array<i32>} : memref<64x128xf32, #tpu.memory_space<vmem>>, vector<16xf32>,
      tpu.vector_store_idx %arg5[%mul3A_34], %get3A_140 : memref<16384xf32, #tpu.memory_space<vmem>>[vector<16xi32>], vector<16xf32>,
      %get3A_141 = arith.index_cast %add3A_123 : i32 to index
      %get3A_142 = arith.constant 64 : index
      %get3A_143 = tpu.vector_load %arg8[%get3A_141, %get3A_142] {strides = array<i32>} : memref<64x128xf32, #tpu.memory_space<vmem>>, vector<16xf32>,
      tpu.vector_store_idx %arg5[%mul3A_41], %get3A_143 : memref<16384xf32, #tpu.memory_space<vmem>>[vector<16xi32>], vector<16xf32>,
      %get3A_144 = arith.index_cast %add3A_123 : i32 to index
      %get3A_145 = arith.constant 80 : index
      %get3A_146 = tpu.vector_load %arg8[%get3A_144, %get3A_145] {strides = array<i32>} : memref<64x128xf32, #tpu.memory_space<vmem>>, vector<16xf32>,
      tpu.vector_store_idx %arg5[%mul3A_48], %get3A_146 : memref<16384xf32, #tpu.memory_space<vmem>>[vector<16xi32>], vector<16xf32>,
      %get3A_147 = arith.index_cast %add3A_123 : i32 to index
      %get3A_148 = arith.constant 96 : index
      %get3A_149 = tpu.vector_load %arg8[%get3A_147, %get3A_148] {strides = array<i32>} : memref<64x128xf32, #tpu.memory_space<vmem>>, vector<16xf32>,
      tpu.vector_store_idx %arg5[%mul3A_55], %get3A_149 : memref<16384xf32, #tpu.memory_space<vmem>>[vector<16xi32>], vector<16xf32>,
      %get3A_150 = arith.index_cast %add3A_123 : i32 to index
      %get3A_151 = arith.constant 112 : index
      %get3A_152 = tpu.vector_load %arg8[%get3A_150, %get3A_151] {strides = array<i32>} : memref<64x128xf32, #tpu.memory_space<vmem>>, vector<16xf32>,
      tpu.vector_store_idx %arg5[%mul3A_62], %get3A_152 : memref<16384xf32, #tpu.memory_space<vmem>>[vector<16xi32>], vector<16xf32>,
      %mul3A_153 = arith.constant 64 : i32
      %mul3A_154 = arith.muli %add3A, %mul3A_153 : i32
      %add3A_155 = arith.addi %mul3A_154, %add3A_123 : i32
      %mul3A_156 = arith.constant 16384 : i32
      %mul3A_157 = arith.muli %add3A_155, %mul3A_156 : i32
      %dma_start3A_158 = tpu.memref_slice %arg3[%mul3A_157] : memref<33554432xf32, #tpu.memory_space<hbm>> -> memref<16384xf32, #tpu.memory_space<hbm>>
      %dma_start3A_159 = tpu.memref_slice %arg3[%mul3A_157] : memref<33554432xf32, #tpu.memory_space<hbm>> -> memref<16384xf32, #tpu.memory_space<hbm>>
      tpu.enqueue_dma source(%arg5 : memref<16384xf32, #tpu.memory_space<vmem>>) target(%dma_start3A_159 : memref<16384xf32, #tpu.memory_space<hbm>>) target_semaphore(%arg10 : memref<!tpu.dma_semaphore, #tpu.memory_space<semaphore_mem>>)
      %mul3A_160 = arith.constant 4 : i32
      %mul3A_161 = arith.muli %scan3A_84, %mul3A_160 : i32
      %add3A_162 = arith.constant 2 : i32
      %add3A_163 = arith.addi %mul3A_161, %add3A_162 : i32
      %gt3A_164 = arith.constant 0 : i32
      %gt3A_165 = arith.cmpi sgt, %scan3A_84, %gt3A_164 : i32
      %convert_element_type3A_166 = arith.extui %gt3A_165 : i1 to i32
      %cond3A_167 = arith.constant 0 : i32
      %cond3A_168 = arith.cmpi ne, %convert_element_type3A_166, %cond3A_167 : i32
      scf.if %cond3A_168 {
        %dma_wait3A_240 = arith.constant 0 : i32
        %dma_wait3A_241 = tpu.memref_slice %arg3[%dma_wait3A_240] : memref<33554432xf32, #tpu.memory_space<hbm>> -> memref<16384xf32, #tpu.memory_space<hbm>>
        %dma_wait3A_242 = arith.constant 0 : i32
        %dma_wait3A_243 = tpu.memref_slice %arg3[%dma_wait3A_242] : memref<33554432xf32, #tpu.memory_space<hbm>> -> memref<16384xf32, #tpu.memory_space<hbm>>
        tpu.wait_dma2 semaphore(%arg11 : memref<!tpu.dma_semaphore, #tpu.memory_space<semaphore_mem>>) src(%dma_wait3A_243 : memref<16384xf32, #tpu.memory_space<hbm>>) dst(%arg6 : memref<16384xf32, #tpu.memory_space<vmem>>)
      } else {
      }
      %get3A_169 = arith.index_cast %add3A_163 : i32 to index
      %get3A_170 = arith.constant 0 : index
      %get3A_171 = tpu.vector_load %arg8[%get3A_169, %get3A_170] {strides = array<i32>} : memref<64x128xf32, #tpu.memory_space<vmem>>, vector<16xf32>,
      tpu.vector_store_idx %arg6[%mul3A_13], %get3A_171 : memref<16384xf32, #tpu.memory_space<vmem>>[vector<16xi32>], vector<16xf32>,
      %get3A_172 = arith.index_cast %add3A_163 : i32 to index
      %get3A_173 = arith.constant 16 : index
      %get3A_174 = tpu.vector_load %arg8[%get3A_172, %get3A_173] {strides = array<i32>} : memref<64x128xf32, #tpu.memory_space<vmem>>, vector<16xf32>,
      tpu.vector_store_idx %arg6[%mul3A_20], %get3A_174 : memref<16384xf32, #tpu.memory_space<vmem>>[vector<16xi32>], vector<16xf32>,
      %get3A_175 = arith.index_cast %add3A_163 : i32 to index
      %get3A_176 = arith.constant 32 : index
      %get3A_177 = tpu.vector_load %arg8[%get3A_175, %get3A_176] {strides = array<i32>} : memref<64x128xf32, #tpu.memory_space<vmem>>, vector<16xf32>,
      tpu.vector_store_idx %arg6[%mul3A_27], %get3A_177 : memref<16384xf32, #tpu.memory_space<vmem>>[vector<16xi32>], vector<16xf32>,
      %get3A_178 = arith.index_cast %add3A_163 : i32 to index
      %get3A_179 = arith.constant 48 : index
      %get3A_180 = tpu.vector_load %arg8[%get3A_178, %get3A_179] {strides = array<i32>} : memref<64x128xf32, #tpu.memory_space<vmem>>, vector<16xf32>,
      tpu.vector_store_idx %arg6[%mul3A_34], %get3A_180 : memref<16384xf32, #tpu.memory_space<vmem>>[vector<16xi32>], vector<16xf32>,
      %get3A_181 = arith.index_cast %add3A_163 : i32 to index
      %get3A_182 = arith.constant 64 : index
      %get3A_183 = tpu.vector_load %arg8[%get3A_181, %get3A_182] {strides = array<i32>} : memref<64x128xf32, #tpu.memory_space<vmem>>, vector<16xf32>,
      tpu.vector_store_idx %arg6[%mul3A_41], %get3A_183 : memref<16384xf32, #tpu.memory_space<vmem>>[vector<16xi32>], vector<16xf32>,
      %get3A_184 = arith.index_cast %add3A_163 : i32 to index
      %get3A_185 = arith.constant 80 : index
      %get3A_186 = tpu.vector_load %arg8[%get3A_184, %get3A_185] {strides = array<i32>} : memref<64x128xf32, #tpu.memory_space<vmem>>, vector<16xf32>,
      tpu.vector_store_idx %arg6[%mul3A_48], %get3A_186 : memref<16384xf32, #tpu.memory_space<vmem>>[vector<16xi32>], vector<16xf32>,
      %get3A_187 = arith.index_cast %add3A_163 : i32 to index
      %get3A_188 = arith.constant 96 : index
      %get3A_189 = tpu.vector_load %arg8[%get3A_187, %get3A_188] {strides = array<i32>} : memref<64x128xf32, #tpu.memory_space<vmem>>, vector<16xf32>,
      tpu.vector_store_idx %arg6[%mul3A_55], %get3A_189 : memref<16384xf32, #tpu.memory_space<vmem>>[vector<16xi32>], vector<16xf32>,
      %get3A_190 = arith.index_cast %add3A_163 : i32 to index
      %get3A_191 = arith.constant 112 : index
      %get3A_192 = tpu.vector_load %arg8[%get3A_190, %get3A_191] {strides = array<i32>} : memref<64x128xf32, #tpu.memory_space<vmem>>, vector<16xf32>,
      tpu.vector_store_idx %arg6[%mul3A_62], %get3A_192 : memref<16384xf32, #tpu.memory_space<vmem>>[vector<16xi32>], vector<16xf32>,
      %mul3A_193 = arith.constant 64 : i32
      %mul3A_194 = arith.muli %add3A, %mul3A_193 : i32
      %add3A_195 = arith.addi %mul3A_194, %add3A_163 : i32
      %mul3A_196 = arith.constant 16384 : i32
      %mul3A_197 = arith.muli %add3A_195, %mul3A_196 : i32
      %dma_start3A_198 = tpu.memref_slice %arg3[%mul3A_197] : memref<33554432xf32, #tpu.memory_space<hbm>> -> memref<16384xf32, #tpu.memory_space<hbm>>
      %dma_start3A_199 = tpu.memref_slice %arg3[%mul3A_197] : memref<33554432xf32, #tpu.memory_space<hbm>> -> memref<16384xf32, #tpu.memory_space<hbm>>
      tpu.enqueue_dma source(%arg6 : memref<16384xf32, #tpu.memory_space<vmem>>) target(%dma_start3A_199 : memref<16384xf32, #tpu.memory_space<hbm>>) target_semaphore(%arg11 : memref<!tpu.dma_semaphore, #tpu.memory_space<semaphore_mem>>)
      %mul3A_200 = arith.constant 4 : i32
      %mul3A_201 = arith.muli %scan3A_84, %mul3A_200 : i32
      %add3A_202 = arith.constant 3 : i32
      %add3A_203 = arith.addi %mul3A_201, %add3A_202 : i32
      %gt3A_204 = arith.constant 0 : i32
      %gt3A_205 = arith.cmpi sgt, %scan3A_84, %gt3A_204 : i32
      %convert_element_type3A_206 = arith.extui %gt3A_205 : i1 to i32
      %cond3A_207 = arith.constant 0 : i32
      %cond3A_208 = arith.cmpi ne, %convert_element_type3A_206, %cond3A_207 : i32
      scf.if %cond3A_208 {
        %dma_wait3A_240 = arith.constant 0 : i32
        %dma_wait3A_241 = tpu.memref_slice %arg3[%dma_wait3A_240] : memref<33554432xf32, #tpu.memory_space<hbm>> -> memref<16384xf32, #tpu.memory_space<hbm>>
        %dma_wait3A_242 = arith.constant 0 : i32
        %dma_wait3A_243 = tpu.memref_slice %arg3[%dma_wait3A_242] : memref<33554432xf32, #tpu.memory_space<hbm>> -> memref<16384xf32, #tpu.memory_space<hbm>>
        tpu.wait_dma2 semaphore(%arg12 : memref<!tpu.dma_semaphore, #tpu.memory_space<semaphore_mem>>) src(%dma_wait3A_243 : memref<16384xf32, #tpu.memory_space<hbm>>) dst(%arg7 : memref<16384xf32, #tpu.memory_space<vmem>>)
      } else {
      }
      %get3A_209 = arith.index_cast %add3A_203 : i32 to index
      %get3A_210 = arith.constant 0 : index
      %get3A_211 = tpu.vector_load %arg8[%get3A_209, %get3A_210] {strides = array<i32>} : memref<64x128xf32, #tpu.memory_space<vmem>>, vector<16xf32>,
      tpu.vector_store_idx %arg7[%mul3A_13], %get3A_211 : memref<16384xf32, #tpu.memory_space<vmem>>[vector<16xi32>], vector<16xf32>,
      %get3A_212 = arith.index_cast %add3A_203 : i32 to index
      %get3A_213 = arith.constant 16 : index
      %get3A_214 = tpu.vector_load %arg8[%get3A_212, %get3A_213] {strides = array<i32>} : memref<64x128xf32, #tpu.memory_space<vmem>>, vector<16xf32>,
      tpu.vector_store_idx %arg7[%mul3A_20], %get3A_214 : memref<16384xf32, #tpu.memory_space<vmem>>[vector<16xi32>], vector<16xf32>,
      %get3A_215 = arith.index_cast %add3A_203 : i32 to index
      %get3A_216 = arith.constant 32 : index
      %get3A_217 = tpu.vector_load %arg8[%get3A_215, %get3A_216] {strides = array<i32>} : memref<64x128xf32, #tpu.memory_space<vmem>>, vector<16xf32>,
      tpu.vector_store_idx %arg7[%mul3A_27], %get3A_217 : memref<16384xf32, #tpu.memory_space<vmem>>[vector<16xi32>], vector<16xf32>,
      %get3A_218 = arith.index_cast %add3A_203 : i32 to index
      %get3A_219 = arith.constant 48 : index
      %get3A_220 = tpu.vector_load %arg8[%get3A_218, %get3A_219] {strides = array<i32>} : memref<64x128xf32, #tpu.memory_space<vmem>>, vector<16xf32>,
      tpu.vector_store_idx %arg7[%mul3A_34], %get3A_220 : memref<16384xf32, #tpu.memory_space<vmem>>[vector<16xi32>], vector<16xf32>,
      %get3A_221 = arith.index_cast %add3A_203 : i32 to index
      %get3A_222 = arith.constant 64 : index
      %get3A_223 = tpu.vector_load %arg8[%get3A_221, %get3A_222] {strides = array<i32>} : memref<64x128xf32, #tpu.memory_space<vmem>>, vector<16xf32>,
      tpu.vector_store_idx %arg7[%mul3A_41], %get3A_223 : memref<16384xf32, #tpu.memory_space<vmem>>[vector<16xi32>], vector<16xf32>,
      %get3A_224 = arith.index_cast %add3A_203 : i32 to index
      %get3A_225 = arith.constant 80 : index
      %get3A_226 = tpu.vector_load %arg8[%get3A_224, %get3A_225] {strides = array<i32>} : memref<64x128xf32, #tpu.memory_space<vmem>>, vector<16xf32>,
      tpu.vector_store_idx %arg7[%mul3A_48], %get3A_226 : memref<16384xf32, #tpu.memory_space<vmem>>[vector<16xi32>], vector<16xf32>,
      %get3A_227 = arith.index_cast %add3A_203 : i32 to index
      %get3A_228 = arith.constant 96 : index
      %get3A_229 = tpu.vector_load %arg8[%get3A_227, %get3A_228] {strides = array<i32>} : memref<64x128xf32, #tpu.memory_space<vmem>>, vector<16xf32>,
      tpu.vector_store_idx %arg7[%mul3A_55], %get3A_229 : memref<16384xf32, #tpu.memory_space<vmem>>[vector<16xi32>], vector<16xf32>,
      %get3A_230 = arith.index_cast %add3A_203 : i32 to index
      %get3A_231 = arith.constant 112 : index
      %get3A_232 = tpu.vector_load %arg8[%get3A_230, %get3A_231] {strides = array<i32>} : memref<64x128xf32, #tpu.memory_space<vmem>>, vector<16xf32>,
      tpu.vector_store_idx %arg7[%mul3A_62], %get3A_232 : memref<16384xf32, #tpu.memory_space<vmem>>[vector<16xi32>], vector<16xf32>,
      %mul3A_233 = arith.constant 64 : i32
      %mul3A_234 = arith.muli %add3A, %mul3A_233 : i32
      %add3A_235 = arith.addi %mul3A_234, %add3A_203 : i32
      %mul3A_236 = arith.constant 16384 : i32
      %mul3A_237 = arith.muli %add3A_235, %mul3A_236 : i32
      %dma_start3A_238 = tpu.memref_slice %arg3[%mul3A_237] : memref<33554432xf32, #tpu.memory_space<hbm>> -> memref<16384xf32, #tpu.memory_space<hbm>>
      %dma_start3A_239 = tpu.memref_slice %arg3[%mul3A_237] : memref<33554432xf32, #tpu.memory_space<hbm>> -> memref<16384xf32, #tpu.memory_space<hbm>>
      tpu.enqueue_dma source(%arg7 : memref<16384xf32, #tpu.memory_space<vmem>>) target(%dma_start3A_239 : memref<16384xf32, #tpu.memory_space<hbm>>) target_semaphore(%arg12 : memref<!tpu.dma_semaphore, #tpu.memory_space<semaphore_mem>>)
    }
    %scan3A_68 = arith.constant 16 : i32
    %dma_wait3A = arith.constant 0 : i32
    %dma_wait3A_69 = tpu.memref_slice %arg3[%dma_wait3A] : memref<33554432xf32, #tpu.memory_space<hbm>> -> memref<16384xf32, #tpu.memory_space<hbm>>
    %dma_wait3A_70 = arith.constant 0 : i32
    %dma_wait3A_71 = tpu.memref_slice %arg3[%dma_wait3A_70] : memref<33554432xf32, #tpu.memory_space<hbm>> -> memref<16384xf32, #tpu.memory_space<hbm>>
    tpu.wait_dma2 semaphore(%arg9 : memref<!tpu.dma_semaphore, #tpu.memory_space<semaphore_mem>>) src(%dma_wait3A_71 : memref<16384xf32, #tpu.memory_space<hbm>>) dst(%arg4 : memref<16384xf32, #tpu.memory_space<vmem>>)
    %dma_wait3A_72 = arith.constant 0 : i32
    %dma_wait3A_73 = tpu.memref_slice %arg3[%dma_wait3A_72] : memref<33554432xf32, #tpu.memory_space<hbm>> -> memref<16384xf32, #tpu.memory_space<hbm>>
    %dma_wait3A_74 = arith.constant 0 : i32
    %dma_wait3A_75 = tpu.memref_slice %arg3[%dma_wait3A_74] : memref<33554432xf32, #tpu.memory_space<hbm>> -> memref<16384xf32, #tpu.memory_space<hbm>>
    tpu.wait_dma2 semaphore(%arg10 : memref<!tpu.dma_semaphore, #tpu.memory_space<semaphore_mem>>) src(%dma_wait3A_75 : memref<16384xf32, #tpu.memory_space<hbm>>) dst(%arg5 : memref<16384xf32, #tpu.memory_space<vmem>>)
    %dma_wait3A_76 = arith.constant 0 : i32
    %dma_wait3A_77 = tpu.memref_slice %arg3[%dma_wait3A_76] : memref<33554432xf32, #tpu.memory_space<hbm>> -> memref<16384xf32, #tpu.memory_space<hbm>>
    %dma_wait3A_78 = arith.constant 0 : i32
    %dma_wait3A_79 = tpu.memref_slice %arg3[%dma_wait3A_78] : memref<33554432xf32, #tpu.memory_space<hbm>> -> memref<16384xf32, #tpu.memory_space<hbm>>
    tpu.wait_dma2 semaphore(%arg11 : memref<!tpu.dma_semaphore, #tpu.memory_space<semaphore_mem>>) src(%dma_wait3A_79 : memref<16384xf32, #tpu.memory_space<hbm>>) dst(%arg6 : memref<16384xf32, #tpu.memory_space<vmem>>)
    %dma_wait3A_80 = arith.constant 0 : i32
    %dma_wait3A_81 = tpu.memref_slice %arg3[%dma_wait3A_80] : memref<33554432xf32, #tpu.memory_space<hbm>> -> memref<16384xf32, #tpu.memory_space<hbm>>
    %dma_wait3A_82 = arith.constant 0 : i32
    %dma_wait3A_83 = tpu.memref_slice %arg3[%dma_wait3A_82] : memref<33554432xf32, #tpu.memory_space<hbm>> -> memref<16384xf32, #tpu.memory_space<hbm>>
    tpu.wait_dma2 semaphore(%arg12 : memref<!tpu.dma_semaphore, #tpu.memory_space<semaphore_mem>>) src(%dma_wait3A_83 : memref<16384xf32, #tpu.memory_space<hbm>>) dst(%arg7 : memref<16384xf32, #tpu.memory_space<vmem>>)
    return
  }
}

</mosaic_0001>

<sc_bundles>
// kernel: kernel.3.cloned.1.call-start
scs
__scs_entry_jumppad:
0x0: {  	(pc) =	sbr.rel $0x88, $3  }
0x1: {  	(tag) =	ssettag $0x0;
	lr =	simm.s32 $0x1  }
0x2: {  	[smem:$0x3FA0] =	sst lr;
	_ =	strace $0xD0000000  }
0x3: {  	_ = 	snop  }
0x4: {  	_ = 	snop  }
0x5: {  	_ = 	snop  }
0x6: {  	_ = 	snop  }
0x7: {  	_ = 	snop  }
__scs_overlays_trampoline_lowered:
0x8: {  	[smem:$0x3FAF] =	sst s0  }
0x9: {  	[smem:$0x3FB0] =	sst s1  }
0xa: {  	[smem:$0x3FB1] =	sst s2  }
0xb: {  	[smem:$0x3FB2] =	sst s3  }
0xc: {  	[smem:$0x3FB3] =	sst s4  }
0xd: {  	[smem:$0x3FB4] =	sst s5  }
0xe: {  	[smem:$0x3FB5] =	sst s6  }
0xf: {  	[smem:$0x3FB6] =	sst s7  }
0x10: {  	[smem:$0x3FB7] =	sst s8  }
0x11: {  	[smem:$0x3FB8] =	sst s9;
	s0 =	simm.s32 @!p0 $0x0  }
0x12: {  	s1 =	sld [smem:$0x3F9E];
	s0 =	simm.s32 @p0 $0x1  }
0x13: {  	[smem:$0x3FB9] =	sst s0;
	s0 =	simm.s32 @!p1 $0x0  }
0x14: {  	s2 =	sld [smem:$0x3F9D];
	s0 =	simm.s32 @p1 $0x1  }
0x15: {  	[smem:$0x3FBA] =	sst s0;
	s0 =	simm.s32 @!p2 $0x0  }
0x16: {  	s3 =	sld [smem:$0x3FDB];
	s0 =	simm.s32 @p2 $0x1  }
0x17: {  	s4 =	simm.s32 $0x1BF5;
	[smem:$0x3FBC] =	sst s0  }
0x18: {  	s0 =	sld [smem:$0x3F9F];
	_ =	swait.ge [sflag:s4], $0x0  }
0x19: {  	s7 =	sld [smem:$0x3FA0]  }
0x1a: {  	s8 =	sadd.s32 $0xFFFFE003, lr  }
0x1b: {  	s9 =	sadd.s32 $0xFFFFFEF7, lr;
	s5 =	simm.s32 $0xFFFFFFFF;
	p2 =	slt.u32 s8, $0xFFFFF086  }
0x1c: {  	p1 =	slt.u32 s9, $0xF7A;
	s5 =	simm.s32 @!p2 $0x0  }
0x1d: {  	s5 =	simm.s32 @p1 $0x1;
	p0 =	seq.s32 s7, s2  }
0x1e: {  	s7 =	smul.u32 @!p0 $0xF7A, s2;
	p2 =	seq.s32 @!p0 s5, $0x0  }
0x1f: {  	s9 =	smul.u32 $0xF7A, s1;
	s8 =	simm.s32 @!p0 $0x1BF5;
	p2 =	por !p2, p0  }
0x20: {  	[sflag:s8] =	ssyncset.s32 @!p0 $0xFFFFF086;
	s6 =	sadd.s32 @!p0 s3, s7;
	s7 =	simm.s32 @!p0 $0x108  }
0x21: {  	s3 =	sadd.s32 s3, s9;
	s6 =	sadd.s32 @!p0 $0x88, s6;
	s7 =	simm.s32 @p2 $0x1082  }
0x22: {  	[simem:s7], [sflag:s8] =	dma.local @!p0 [hbm:s6], $0xF7A  }
0x23: {  	s9 =	sor.u32 $0xD0000000, s2;
	s6 =	simm.s32 $0x108;
	_ =	swait.ge @!p0 [sflag:s8], $0x0  }
0x24: {  	s3 =	sadd.s32 $0x88, s3;
	s6 =	simm.s32 @!p1 $0x1082;
	[sflag:s4] =	ssyncset.s32 $0xFFFFF086  }
0x25: {  	[simem:s6], [sflag:s4] =	dma.local [hbm:s3], $0xF7A  }
0x26: {  	[smem:$0x3FA0] =	sst s1;
	(tag) =	ssettag s2;
	_ =	strace s9  }
0x27: {  	s1 =	sld [smem:$0x3FB0]  }
0x28: {  	s2 =	sld [smem:$0x3FB1]  }
0x29: {  	s4 =	sld [smem:$0x3FB3]  }
0x2a: {  	p0 =	seq.s32 s5, $0x0;
	s5 =	sld [smem:$0x3FB4]  }
0x2b: {  	s6 =	sld [smem:$0x3FB5]  }
0x2c: {  	s7 =	sld [smem:$0x3FB6]  }
0x2d: {  	s3 =	simm.s32 $0x108;
	s8 =	sld [smem:$0x3FB7]  }
0x2e: {  	s3 =	simm.s32 @!p0 $0x1082;
	s9 =	sld [smem:$0x3FB8]  }
0x2f: {  	lr =	sadd.s32 s0, s3;
	s0 =	sld [smem:$0x3FAF]  }
0x30: {  	s3 =	sld [smem:$0x3FB2]  }
0x31: {  	[smem:$0x3FBB] =	sst s10  }
0x32: {  	s10 =	sld [smem:$0x3FB9];
	_ =	sdelay $0x3  }
0x33: {  	p0 =	seq.s32 s10, $0x1;
	s10 =	sld [smem:$0x3FBB];
	_ =	sdelay $0x3  }
0x34: {  	[smem:$0x3FBB] =	sst s10  }
0x35: {  	s10 =	sld [smem:$0x3FBA];
	_ =	sdelay $0x3  }
0x36: {  	p1 =	seq.s32 s10, $0x1;
	s10 =	sld [smem:$0x3FBB];
	_ =	sdelay $0x3  }
0x37: {  	[smem:$0x3FBB] =	sst s10  }
0x38: {  	s10 =	sld [smem:$0x3FBC]  }
0x39: {  	_ = 	snop;
	(pc) =	sbr.ind lr, $3  }
0x3a: {  	_ = 	snop  }
0x3b: {  	_ = 	snop  }
0x3c: {  	p2 =	seq.s32 s10, $0x1;
	s10 =	sld [smem:$0x3FBB]  }
0x3d: {  	_ =	shalt  }
0x3e: {  	_ =	shalt  }
0x3f: {  	_ =	shalt  }
0x40: {  	_ =	shalt  }
0x41: {  	_ =	shalt  }
0x42: {  	_ =	shalt  }
0x43: {  	_ =	shalt  }
0x44: {  	_ =	shalt  }
0x45: {  	_ =	shalt  }
0x46: {  	_ =	shalt  }
0x47: {  	_ =	shalt  }
0x48: {  	_ =	shalt  }
0x49: {  	_ =	shalt  }
0x4a: {  	_ =	shalt  }
0x4b: {  	_ =	shalt  }
0x4c: {  	_ =	shalt  }
0x4d: {  	_ =	shalt  }
0x4e: {  	_ =	shalt  }
0x4f: {  	_ =	shalt  }
0x50: {  	_ =	shalt  }
0x51: {  	_ =	shalt  }
0x52: {  	_ =	shalt  }
0x53: {  	_ =	shalt  }
0x54: {  	_ =	shalt  }
0x55: {  	_ =	shalt  }
0x56: {  	_ =	shalt  }
0x57: {  	_ =	shalt  }
0x58: {  	_ =	shalt  }
0x59: {  	_ =	shalt  }
0x5a: {  	_ =	shalt  }
0x5b: {  	_ =	shalt  }
0x5c: {  	_ =	shalt  }
0x5d: {  	_ =	shalt  }
0x5e: {  	_ =	shalt  }
0x5f: {  	_ =	shalt  }
0x60: {  	_ =	shalt  }
0x61: {  	_ =	shalt  }
0x62: {  	_ =	shalt  }
0x63: {  	_ =	shalt  }
0x64: {  	_ =	shalt  }
0x65: {  	_ =	shalt  }
0x66: {  	_ =	shalt  }
0x67: {  	_ =	shalt  }
0x68: {  	_ =	shalt  }
0x69: {  	_ =	shalt  }
0x6a: {  	_ =	shalt  }
0x6b: {  	_ =	shalt  }
0x6c: {  	_ =	shalt  }
0x6d: {  	_ =	shalt  }
0x6e: {  	_ =	shalt  }
0x6f: {  	_ =	shalt  }
0x70: {  	_ =	shalt  }
0x71: {  	_ =	shalt  }
0x72: {  	_ =	shalt  }
0x73: {  	_ =	shalt  }
0x74: {  	_ =	shalt  }
0x75: {  	_ =	shalt  }
0x76: {  	_ =	shalt  }
0x77: {  	_ =	shalt  }
0x78: {  	_ =	shalt  }
0x79: {  	_ =	shalt  }
0x7a: {  	_ =	shalt  }
0x7b: {  	_ =	shalt  }
0x7c: {  	_ =	shalt  }
0x7d: {  	_ =	shalt  }
0x7e: {  	_ =	shalt  }
0x7f: {  	_ =	shalt  }
0x80: {  	_ =	shalt  }
0x81: {  	_ =	shalt  }
0x82: {  	_ =	shalt  }
0x83: {  	_ =	shalt  }
0x84: {  	_ =	shalt  }
0x85: {  	_ =	shalt  }
0x86: {  	_ =	shalt  }
0x87: {  	_ =	shalt  }
.Lfunc_end0:
.L_simem_size_0:
called_computation_lowered:
.L_overlay_start_0:
0x88: {  	s2 =	sld [smem:$0x3FD9]  }
0x89: {  	s3 =	sld [smem:$0x3FFE];
	_ =	sdelay $0x1  }
0x8a: {  	s1 =	srdreg.scid  }
0x8b: {  	s0 =	sand.u32 $0x1, s1  }
0x8c: {  	s18 =	sshll.u32 s0, $0xA;
	s2 =	sadd.s32 s3, s2  }
0x8d: {  	s2 =	sadd.s32 s2, s18  }
0x8e: {  	[smem:$0x3FC7] =	sst s2  }
0x8f: {  	_ = 	snop  }
0x90: {  	s2 =	sld [smem:$0x3FC9]  }
0x91: {  	s19 =	sld [smem:$0x3FD0];
	(tm) =	ssettm $0x1  }
0x92: {  	s4 =	sld [smem:$0x3FFB];
	_ =	sdelay $0x3  }
0x93: {  	_ =	strace s4  }
0x94: {  	s4 =	sld [smem:$0x3FFC];
	_ =	sdelay $0x3  }
0x95: {  	_ =	strace s4  }
0x96: {  	s4 =	sld [smem:$0x3FFD];
	_ =	sdelay $0x3  }
0x97: {  	_ =	strace s4  }
0x98: {  	_ =	strace $0x8FFFFFFF  }
0x99: {  	s20 =	sld [smem:$0x3FDB];
	_ =	sdelay $0x1  }
0x9a: {  	s5 =	simm.s32 $_scs_section_size  }
0x9b: {  	s6 =	simm.s32 $_size__tile_overlayer_lowered;
	s7 =	simm.s32 $_tile_overlayer_lowered  }
0x9c: {  	s23 =	simm.s32 $0x1BFF;
	s22 =	sshll.u32 s7, $0x1;
	s4 =	sadd.s32 s5, s20  }
0x9d: {  	s8 =	simm.s32 $0x0;
	s21 =	sshll.u32 s6, $0x1;
	s6 =	sadd.s32 s22, s4  }
0x9e: {  	[timem:s8], [sflag:s23] =	dma.local [hbm:s6], s21  }
0x9f: {  	_ =	swait.ge [sflag:s23], s21  }
0xa0: {  	s5 =	ssub.s32 $0x0, s21;
	[sflag:s23] =	ssyncset.done $0x0  }
0xa1: {  	[sflag:s23] =	ssyncadd.s32 s5;
	_ =	sdelay $0x1  }
0xa2: {  	s24 =	simm.s32 $0x1B8B  }
0xa3: {  	_ =	swait.ge [sflag:s24], $0x1  }
0xa4: {  	[sflag:s24] =	ssyncset.done $0x0  }
0xa5: {  	s25 =	simm.s32 $0x1B8E;
	[sflag:s24] =	ssyncadd.s32 $0xFFFFFFFF  }
0xa6: {  	s26 =	simm.s32 $execute0_lowered;
	[smem:$0x3FD2] =	sst s25  }
0xa7: {  	s5 =	sshll.u32 s26, $0x1;
	_ =	strace $0x80000046;
	[dreg:$0x1] =	wrdreg $0xFFFFFFFF  }
0xa8: {  	s28 =	simm.s32 $_size_execute0_lowered;
	s4 =	sadd.s32 s4, s5;
	[dreg:$0x0] =	wrdreg $0x0  }
0xa9: {  	s5 =	sshll.u32 s28, $0x1;
	[dreg:$0x2] =	wrdreg s4  }
0xaa: {  	[dreg:$0x3] =	wrdreg s5  }
0xab: {  	[dreg:$0x4] =	wrdreg $0xC0  }
0xac: {  	_ =	task [dreg:s8], $0x5FFFF  }
0xad: {  	[dreg:$0x1] =	wrdreg $0xFFFFFFFF  }
0xae: {  	[dreg:$0x0] =	wrdreg $0x60  }
0xaf: {  	[dreg:$0x2] =	wrdreg s2  }
0xb0: {  	[dreg:$0x3] =	wrdreg s19  }
0xb1: {  	[dreg:$0x4] =	wrdreg $0x9  }
0xb2: {  	_ =	task.clear_ibuf [dreg:s8], $0x5FFFF;
	_ =	strace $0x90000046  }
0xb3: {  	s29 =	simm.s32 $0x9;
	_ =	strace $0x80000048  }
0xb4: {  	_ =	swait.ge [sflag:s29], $0x1  }
0xb5: {  	[sflag:s29] =	ssyncadd.s32 $0xFFFFFFFF  }
0xb6: {  	_ =	strace $0x90000048  }
0xb7: {  	_ =	sfence  }
0xb8: {  	s30 =	sld [smem:$0x0];
	_ =	sdelay $0x2  }
0xb9: {  	s31 =	sshll.u32 s1, $0xD;
	s1 =	sshrl.u32 s1, $0x2  }
0xba: {  	s3 =	sand.u32 $0x4000, s31;
	s1 =	sadd.s32 s1, s30  }
0xbb: {  	s0 =	sor.u32 s3, s0;
	s1 =	sshll.u32 s1, $0x11  }
0xbc: {  	s0 =	sor.u32 s1, s0  }
0xbd: {  	s0 =	sadd.s32 $0x8F2B, s0  }
0xbe: {  	[sflag:s0] =	ssyncadd.remote.s32 $0x1  }
0xbf: {  	_ =	sfence.sel $0xFFFF  }
0xc0: {  	[dreg:$0x0] =	wrdreg $0xFFFFFFFF;
	(pc) =	sbr.abs _section_cstart, $3  }
0xc1: {  	[dreg:$0x1] =	wrdreg $0xFFFFFFFF  }
0xc2: {  	_ =	task.clear_ibuf [dreg:s8], $0x2FFFF;
	_ =	strace $0x9FFFFFFF  }
0xc3: {  	(tm) =	ssettm $0x7FFFFFFF  }
tec
execute0_lowered:
.L_overlay_start_1:
0x0: {  	(tag) =	ssettag $0x1  }
0x1: {  	s3 =	rddreg [dreg:$0x0]  }
0x2: {  	s4 =	rddreg [dreg:$0x1]  }
0x3: {  	s0 =	rddreg [dreg:$0x2];
	s1 =	simm.s32 $0x0  }
0x4: {  	s2 =	srdreg.scid;
	s10 =	simm.s32 $0xC000;
	s11 =	simm.s32 $0x1  }
0x5: {  	s12 =	simm.s32 $0x2;
	s13 =	simm.s32 $0x3;
	s14 =	simm.s32 $0x4  }
0x6: {  	v0 =	vlaneseq.u32;
	s15 =	simm.s32 $0x0;
	[smem:$0x7FF] =	sst s1;
	s5 =	sand.u32 $0x1, s2  }
0x7: {  	s2 =	stileid.u32;
	v0 =	vmul.u32 $0x81, v0;
	_ =	strace $0x80000047;
	s6 =	ssub.s32 $0x2, s5  }
0x8: {  	s8 =	sshll.u32 s2, $0xB;
	s9 =	sshll.u32 s5, $0xA;
	s30 =	sshll.u32 s2, $0x12  }
0x9: {  	s5 =	sshll.u32 s5, $0x11;
	s7 =	sshrl.u32 s6, $0x1;
	s29 =	sor.u32 s9, s8;
	v8 =	vadd.s32 $0x3870, v0  }
0xa: {  	v1 =	vimm.f32 $0.0e+00;
	s31 =	sadd.s32 s30, s4;
	s8 =	simm.s32 $0x4000;
	s9 =	simm.s32 $0x8000  }
0xb: {  	v2 =	vadd.s32 $0x810, v0;
	v3 =	vadd.s32 $0x1020, v0;
	v4 =	vadd.s32 $0x1830, v0;
	s6 =	ssub.s32 s6, s7;
	s3 =	sadd.s32 s3, s29;
	s5 =	sadd.s32 s5, s31  }
0xc: {  	v5 =	vadd.s32 $0x2040, v0;
	v6 =	vadd.s32 $0x2850, v0;
	v7 =	vadd.s32 $0x3060, v0;
	s7 =	simm.s32 $0x5;
	s4 =	smax.u32 s6, $0x1;
	s6 =	simm.s32 $0x10000  }
.LBB2_1:
0xd: {  	[tilespmem:s6], [sflag:$0x5] =	stream.linear.gather [hbm4b:s3+s1], $0x2000, $0x38;
	[tilespmem:$0x12000] =	vst v63  }
0xe: {  	_ =	swait.ge [sflag:s7], $0x2000  }
0xf: {  	[sflag:s7] =	ssyncset.done $0x0  }
0x10: {  	s16 =	simm.s32 $0x0;
	[sflag:s7] =	ssyncadd.s32 $0xFFFFE000  }
.LBB2_2:
0x11: {  	p0 =	sne.s32 s16, $0xFFC0  }
.Ltmp0:
0x12: {  	s17 =	sshra.s32 s16, $0x2;
	(pc) =	sbr.rel @p0 .LBB2_2-.Ltmp0, $4  }
0x13: {  	[tilespmem:s17+$0x0] =	vst v1  }
0x14: {  	[tilespmem:s17+$0x4000] =	vst v1  }
0x15: {  	[tilespmem:s17+$0x8000] =	vst v1  }
0x16: {  	s16 =	sadd.s32 $0x40, s16;
	[tilespmem:s17+$0xC000] =	vst v1  }
0x17: {  	p0 =	por $0x1, $0x1  }
0x18: {  	s17 =	simm.s32 @!p0 $0x1  }
0x19: {  	_ =	swait.ge @!p0 [sflag:s17], $0x4000  }
0x1a: {  	[sflag:s17] =	ssyncset.done @!p0 $0x0  }
0x1b: {  	s16 =	simm.s32 $0x10100;
	[sflag:s17] =	ssyncadd.s32 @!p0 $0xFFFFC000  }
0x1c: {  	v9 =	vld [tilespmem:s16+$0xFFFFFF00];
	_ =	sdelay $0x4  }
0x1d: {  	[tilespmem:v0+s1+$0x0] =	vst.idx.msk $0xffff, v9  }
0x1e: {  	v9 =	vld [tilespmem:s16+$0xFFFFFF10];
	_ =	sdelay $0x4  }
0x1f: {  	[tilespmem:v2+s1+$0x0] =	vst.idx.msk $0xffff, v9  }
0x20: {  	v9 =	vld [tilespmem:s16+$0xFFFFFF20];
	_ =	sdelay $0x4  }
0x21: {  	[tilespmem:v3+s1+$0x0] =	vst.idx.msk $0xffff, v9  }
0x22: {  	v9 =	vld [tilespmem:s16+$0xFFFFFF30];
	_ =	sdelay $0x4  }
0x23: {  	[tilespmem:v4+s1+$0x0] =	vst.idx.msk $0xffff, v9  }
0x24: {  	v9 =	vld [tilespmem:s16+$0xFFFFFF40];
	_ =	sdelay $0x4  }
0x25: {  	[tilespmem:v5+s1+$0x0] =	vst.idx.msk $0xffff, v9  }
0x26: {  	v9 =	vld [tilespmem:s16+$0xFFFFFF50];
	_ =	sdelay $0x4  }
0x27: {  	[tilespmem:v6+s1+$0x0] =	vst.idx.msk $0xffff, v9  }
0x28: {  	v9 =	vld [tilespmem:s16+$0xFFFFFF60];
	_ =	sdelay $0x4  }
0x29: {  	[tilespmem:v7+s1+$0x0] =	vst.idx.msk $0xffff, v9  }
0x2a: {  	v9 =	vld [tilespmem:s16+$0xFFFFFF70];
	_ =	sdelay $0x4  }
0x2b: {  	s19 =	sadd.s32 $0x0, s5;
	s17 =	simm.s32 @!p0 $0x2;
	[tilespmem:v8+s1+$0x0] =	vst.idx.msk $0xffff, v9  }
0x2c: {  	[hbm4b:s19+s1] =	stream.linear.scatter [tilespmem:s1], [sflag:$0x1], $0x4000, $0x38;
	[tilespmem:$0x12000] =	vst v63  }
0x2d: {  	_ =	swait.ge @!p0 [sflag:s17], $0x4000  }
0x2e: {  	[sflag:s17] =	ssyncset.done @!p0 $0x0  }
0x2f: {  	[sflag:s17] =	ssyncadd.s32 @!p0 $0xFFFFC000  }
0x30: {  	v9 =	vld [tilespmem:s16+$0xFFFFFF80];
	_ =	sdelay $0x4  }
0x31: {  	[tilespmem:v0+s8+$0x0] =	vst.idx.msk $0xffff, v9  }
0x32: {  	v9 =	vld [tilespmem:s16+$0xFFFFFF90];
	_ =	sdelay $0x4  }
0x33: {  	[tilespmem:v2+s8+$0x0] =	vst.idx.msk $0xffff, v9  }
0x34: {  	v9 =	vld [tilespmem:s16+$0xFFFFFFA0];
	_ =	sdelay $0x4  }
0x35: {  	[tilespmem:v3+s8+$0x0] =	vst.idx.msk $0xffff, v9  }
0x36: {  	v9 =	vld [tilespmem:s16+$0xFFFFFFB0];
	_ =	sdelay $0x4  }
0x37: {  	[tilespmem:v4+s8+$0x0] =	vst.idx.msk $0xffff, v9  }
0x38: {  	v9 =	vld [tilespmem:s16+$0xFFFFFFC0];
	_ =	sdelay $0x4  }
0x39: {  	[tilespmem:v5+s8+$0x0] =	vst.idx.msk $0xffff, v9  }
0x3a: {  	v9 =	vld [tilespmem:s16+$0xFFFFFFD0];
	_ =	sdelay $0x4  }
0x3b: {  	[tilespmem:v6+s8+$0x0] =	vst.idx.msk $0xffff, v9  }
0x3c: {  	v9 =	vld [tilespmem:s16+$0xFFFFFFE0];
	_ =	sdelay $0x4  }
0x3d: {  	[tilespmem:v7+s8+$0x0] =	vst.idx.msk $0xffff, v9  }
0x3e: {  	v9 =	vld [tilespmem:s16+$0xFFFFFFF0];
	_ =	sdelay $0x4  }
0x3f: {  	s30 =	sadd.s32 $0x800, s19;
	s18 =	simm.s32 @!p0 $0x3;
	[tilespmem:v8+s8+$0x0] =	vst.idx.msk $0xffff, v9  }
0x40: {  	[hbm4b:s30+s1] =	stream.linear.scatter [tilespmem:s8], [sflag:$0x2], $0x4000, $0x38;
	[tilespmem:$0x12000] =	vst v63  }
0x41: {  	_ =	swait.ge @!p0 [sflag:s18], $0x4000  }
0x42: {  	[sflag:s18] =	ssyncset.done @!p0 $0x0  }
0x43: {  	[sflag:s18] =	ssyncadd.s32 @!p0 $0xFFFFC000  }
0x44: {  	v9 =	vld [tilespmem:s16+$0x0];
	_ =	sdelay $0x4  }
0x45: {  	[tilespmem:v0+s9+$0x0] =	vst.idx.msk $0xffff, v9  }
0x46: {  	v9 =	vld [tilespmem:s16+$0x10];
	_ =	sdelay $0x4  }
0x47: {  	[tilespmem:v2+s9+$0x0] =	vst.idx.msk $0xffff, v9  }
0x48: {  	v9 =	vld [tilespmem:s16+$0x20];
	_ =	sdelay $0x4  }
0x49: {  	[tilespmem:v3+s9+$0x0] =	vst.idx.msk $0xffff, v9  }
0x4a: {  	v9 =	vld [tilespmem:s16+$0x30];
	_ =	sdelay $0x4  }
0x4b: {  	[tilespmem:v4+s9+$0x0] =	vst.idx.msk $0xffff, v9  }
0x4c: {  	v9 =	vld [tilespmem:s16+$0x40];
	_ =	sdelay $0x4  }
0x4d: {  	[tilespmem:v5+s9+$0x0] =	vst.idx.msk $0xffff, v9  }
0x4e: {  	v9 =	vld [tilespmem:s16+$0x50];
	_ =	sdelay $0x4  }
0x4f: {  	[tilespmem:v6+s9+$0x0] =	vst.idx.msk $0xffff, v9  }
0x50: {  	v9 =	vld [tilespmem:s16+$0x60];
	_ =	sdelay $0x4  }
0x51: {  	[tilespmem:v7+s9+$0x0] =	vst.idx.msk $0xffff, v9  }
0x52: {  	v9 =	vld [tilespmem:s16+$0x70];
	_ =	sdelay $0x4  }
0x53: {  	s31 =	sadd.s32 $0x1000, s19;
	s18 =	simm.s32 @!p0 $0x4;
	[tilespmem:v8+s9+$0x0] =	vst.idx.msk $0xffff, v9  }
0x54: {  	[hbm4b:s31+s1] =	stream.linear.scatter [tilespmem:s9], [sflag:$0x3], $0x4000, $0x38;
	[tilespmem:$0x12000] =	vst v63  }
0x55: {  	_ =	swait.ge @!p0 [sflag:s18], $0x4000  }
0x56: {  	[sflag:s18] =	ssyncset.done @!p0 $0x0  }
0x57: {  	[sflag:s18] =	ssyncadd.s32 @!p0 $0xFFFFC000  }
0x58: {  	v9 =	vld [tilespmem:s16+$0x80];
	_ =	sdelay $0x4  }
0x59: {  	[tilespmem:v0+s10+$0x0] =	vst.idx.msk $0xffff, v9  }
0x5a: {  	v9 =	vld [tilespmem:s16+$0x90];
	_ =	sdelay $0x4  }
0x5b: {  	[tilespmem:v2+s10+$0x0] =	vst.idx.msk $0xffff, v9  }
0x5c: {  	v9 =	vld [tilespmem:s16+$0xA0];
	_ =	sdelay $0x4  }
0x5d: {  	[tilespmem:v3+s10+$0x0] =	vst.idx.msk $0xffff, v9  }
0x5e: {  	v9 =	vld [tilespmem:s16+$0xB0];
	_ =	sdelay $0x4  }
0x5f: {  	[tilespmem:v4+s10+$0x0] =	vst.idx.msk $0xffff, v9  }
0x60: {  	v9 =	vld [tilespmem:s16+$0xC0];
	_ =	sdelay $0x4  }
0x61: {  	[tilespmem:v5+s10+$0x0] =	vst.idx.msk $0xffff, v9  }
0x62: {  	v9 =	vld [tilespmem:s16+$0xD0];
	_ =	sdelay $0x4  }
0x63: {  	[tilespmem:v6+s10+$0x0] =	vst.idx.msk $0xffff, v9  }
0x64: {  	v9 =	vld [tilespmem:s16+$0xE0];
	_ =	sdelay $0x4  }
0x65: {  	[tilespmem:v7+s10+$0x0] =	vst.idx.msk $0xffff, v9  }
0x66: {  	v9 =	vld [tilespmem:s16+$0xF0];
	_ =	sdelay $0x1  }
0x67: {  	s19 =	sadd.s32 $0x1800, s19  }
0x68: {  	s17 =	simm.s32 $0x2000;
	s18 =	simm.s32 $0x4000;
	p0 =	por $0x0, $0x0  }
.LBB2_4:
0x69: {  	s21 =	simm.s32 @!p0 $0x1  }
0x6a: {  	[tilespmem:v8+s10+$0x0] =	vst.idx.msk $0xffff, v9;
	s16 =	sadd.s32 $0x200, s16;
	s20 =	smov.u32 s18;
	s18 =	sadd.s32 $0x2000, s18  }
0x6b: {  	[hbm4b:s19+s1] =	stream.linear.scatter [tilespmem:s10], [sflag:$0x4], $0x4000, $0x38;
	[tilespmem:$0x12000] =	vst v63  }
0x6c: {  	p1 =	sne.s32 s18, $0x20000;
	_ =	swait.ge @!p0 [sflag:s21], $0x4000  }
0x6d: {  	[sflag:s21] =	ssyncset.done @!p0 $0x0  }
0x6e: {  	[sflag:s21] =	ssyncadd.s32 @!p0 $0xFFFFC000  }
0x6f: {  	v9 =	vld [tilespmem:s16+$0xFFFFFF00];
	_ =	sdelay $0x4  }
0x70: {  	[tilespmem:v0+s1+$0x0] =	vst.idx.msk $0xffff, v9  }
0x71: {  	v9 =	vld [tilespmem:s16+$0xFFFFFF10];
	_ =	sdelay $0x4  }
0x72: {  	[tilespmem:v2+s1+$0x0] =	vst.idx.msk $0xffff, v9  }
0x73: {  	v9 =	vld [tilespmem:s16+$0xFFFFFF20];
	_ =	sdelay $0x4  }
0x74: {  	[tilespmem:v3+s1+$0x0] =	vst.idx.msk $0xffff, v9  }
0x75: {  	v9 =	vld [tilespmem:s16+$0xFFFFFF30];
	_ =	sdelay $0x4  }
0x76: {  	[tilespmem:v4+s1+$0x0] =	vst.idx.msk $0xffff, v9  }
0x77: {  	v9 =	vld [tilespmem:s16+$0xFFFFFF40];
	_ =	sdelay $0x4  }
0x78: {  	[tilespmem:v5+s1+$0x0] =	vst.idx.msk $0xffff, v9  }
0x79: {  	v9 =	vld [tilespmem:s16+$0xFFFFFF50];
	_ =	sdelay $0x4  }
0x7a: {  	[tilespmem:v6+s1+$0x0] =	vst.idx.msk $0xffff, v9  }
0x7b: {  	v9 =	vld [tilespmem:s16+$0xFFFFFF60];
	_ =	sdelay $0x4  }
0x7c: {  	[tilespmem:v7+s1+$0x0] =	vst.idx.msk $0xffff, v9  }
0x7d: {  	v9 =	vld [tilespmem:s16+$0xFFFFFF70];
	_ =	sdelay $0x4  }
0x7e: {  	s19 =	sadd.s32 s17, s5;
	s17 =	smov.u32 s20;
	s21 =	simm.s32 @!p0 $0x2;
	[tilespmem:v8+s1+$0x0] =	vst.idx.msk $0xffff, v9  }
0x7f: {  	[hbm4b:s19+s1] =	stream.linear.scatter [tilespmem:s1], [sflag:$0x1], $0x4000, $0x38;
	[tilespmem:$0x12000] =	vst v63  }
0x80: {  	_ =	swait.ge @!p0 [sflag:s21], $0x4000  }
0x81: {  	[sflag:s21] =	ssyncset.done @!p0 $0x0  }
0x82: {  	[sflag:s21] =	ssyncadd.s32 @!p0 $0xFFFFC000  }
0x83: {  	v9 =	vld [tilespmem:s16+$0xFFFFFF80];
	_ =	sdelay $0x4  }
0x84: {  	[tilespmem:v0+s8+$0x0] =	vst.idx.msk $0xffff, v9  }
0x85: {  	v9 =	vld [tilespmem:s16+$0xFFFFFF90];
	_ =	sdelay $0x4  }
0x86: {  	[tilespmem:v2+s8+$0x0] =	vst.idx.msk $0xffff, v9  }
0x87: {  	v9 =	vld [tilespmem:s16+$0xFFFFFFA0];
	_ =	sdelay $0x4  }
0x88: {  	[tilespmem:v3+s8+$0x0] =	vst.idx.msk $0xffff, v9  }
0x89: {  	v9 =	vld [tilespmem:s16+$0xFFFFFFB0];
	_ =	sdelay $0x4  }
0x8a: {  	[tilespmem:v4+s8+$0x0] =	vst.idx.msk $0xffff, v9  }
0x8b: {  	v9 =	vld [tilespmem:s16+$0xFFFFFFC0];
	_ =	sdelay $0x4  }
0x8c: {  	[tilespmem:v5+s8+$0x0] =	vst.idx.msk $0xffff, v9  }
0x8d: {  	v9 =	vld [tilespmem:s16+$0xFFFFFFD0];
	_ =	sdelay $0x4  }
0x8e: {  	[tilespmem:v6+s8+$0x0] =	vst.idx.msk $0xffff, v9  }
0x8f: {  	v9 =	vld [tilespmem:s16+$0xFFFFFFE0];
	_ =	sdelay $0x4  }
0x90: {  	[tilespmem:v7+s8+$0x0] =	vst.idx.msk $0xffff, v9  }
0x91: {  	v9 =	vld [tilespmem:s16+$0xFFFFFFF0];
	_ =	sdelay $0x4  }
0x92: {  	s20 =	sadd.s32 $0x800, s19;
	s21 =	simm.s32 @!p0 $0x3;
	[tilespmem:v8+s8+$0x0] =	vst.idx.msk $0xffff, v9  }
0x93: {  	[hbm4b:s20+s1] =	stream.linear.scatter [tilespmem:s8], [sflag:$0x2], $0x4000, $0x38;
	[tilespmem:$0x12000] =	vst v63  }
0x94: {  	_ =	swait.ge @!p0 [sflag:s21], $0x4000  }
0x95: {  	[sflag:s21] =	ssyncset.done @!p0 $0x0  }
0x96: {  	[sflag:s21] =	ssyncadd.s32 @!p0 $0xFFFFC000  }
0x97: {  	v9 =	vld [tilespmem:s16+$0x0];
	_ =	sdelay $0x4  }
0x98: {  	[tilespmem:v0+s9+$0x0] =	vst.idx.msk $0xffff, v9  }
0x99: {  	v9 =	vld [tilespmem:s16+$0x10];
	_ =	sdelay $0x4  }
0x9a: {  	[tilespmem:v2+s9+$0x0] =	vst.idx.msk $0xffff, v9  }
0x9b: {  	v9 =	vld [tilespmem:s16+$0x20];
	_ =	sdelay $0x4  }
0x9c: {  	[tilespmem:v3+s9+$0x0] =	vst.idx.msk $0xffff, v9  }
0x9d: {  	v9 =	vld [tilespmem:s16+$0x30];
	_ =	sdelay $0x4  }
0x9e: {  	[tilespmem:v4+s9+$0x0] =	vst.idx.msk $0xffff, v9  }
0x9f: {  	v9 =	vld [tilespmem:s16+$0x40];
	_ =	sdelay $0x4  }
0xa0: {  	[tilespmem:v5+s9+$0x0] =	vst.idx.msk $0xffff, v9  }
0xa1: {  	v9 =	vld [tilespmem:s16+$0x50];
	_ =	sdelay $0x4  }
0xa2: {  	[tilespmem:v6+s9+$0x0] =	vst.idx.msk $0xffff, v9  }
0xa3: {  	v9 =	vld [tilespmem:s16+$0x60];
	_ =	sdelay $0x4  }
0xa4: {  	[tilespmem:v7+s9+$0x0] =	vst.idx.msk $0xffff, v9  }
0xa5: {  	v9 =	vld [tilespmem:s16+$0x70];
	_ =	sdelay $0x4  }
0xa6: {  	s20 =	sadd.s32 $0x1000, s19;
	s21 =	simm.s32 @!p0 $0x4;
	[tilespmem:v8+s9+$0x0] =	vst.idx.msk $0xffff, v9  }
0xa7: {  	[hbm4b:s20+s1] =	stream.linear.scatter [tilespmem:s9], [sflag:$0x3], $0x4000, $0x38;
	[tilespmem:$0x12000] =	vst v63  }
0xa8: {  	_ =	swait.ge @!p0 [sflag:s21], $0x4000  }
0xa9: {  	[sflag:s21] =	ssyncset.done @!p0 $0x0  }
0xaa: {  	[sflag:s21] =	ssyncadd.s32 @!p0 $0xFFFFC000  }
0xab: {  	v9 =	vld [tilespmem:s16+$0x80];
	_ =	sdelay $0x4  }
0xac: {  	[tilespmem:v0+s10+$0x0] =	vst.idx.msk $0xffff, v9  }
0xad: {  	v9 =	vld [tilespmem:s16+$0x90];
	_ =	sdelay $0x4  }
0xae: {  	[tilespmem:v2+s10+$0x0] =	vst.idx.msk $0xffff, v9  }
0xaf: {  	v9 =	vld [tilespmem:s16+$0xA0];
	_ =	sdelay $0x4  }
0xb0: {  	[tilespmem:v3+s10+$0x0] =	vst.idx.msk $0xffff, v9  }
0xb1: {  	v9 =	vld [tilespmem:s16+$0xB0];
	_ =	sdelay $0x4  }
0xb2: {  	[tilespmem:v4+s10+$0x0] =	vst.idx.msk $0xffff, v9  }
0xb3: {  	v9 =	vld [tilespmem:s16+$0xC0];
	_ =	sdelay $0x4  }
0xb4: {  	[tilespmem:v5+s10+$0x0] =	vst.idx.msk $0xffff, v9  }
0xb5: {  	v9 =	vld [tilespmem:s16+$0xD0];
	_ =	sdelay $0x4  }
0xb6: {  	[tilespmem:v6+s10+$0x0] =	vst.idx.msk $0xffff, v9  }
0xb7: {  	v9 =	vld [tilespmem:s16+$0xE0];
	_ =	sdelay $0x4  }
0xb8: {  	[tilespmem:v7+s10+$0x0] =	vst.idx.msk $0xffff, v9  }
.Ltmp1:
0xb9: {  	v9 =	vld [tilespmem:s16+$0xF0];
	(pc) =	sbr.rel @p1 .LBB2_4-.Ltmp1, $2  }
0xba: {  	_ =	sdelay $0x2  }
0xbb: {  	s19 =	sadd.s32 $0x1800, s19;
	p0 =	seq.s32 s17, $0x0  }
0xbc: {  	_ =	sdelay $0x3  }
0xbd: {  	s18 =	simm.s32 @!p0 $0x1;
	[tilespmem:v8+s10+$0x0] =	vst.idx.msk $0xffff, v9  }
0xbe: {  	[hbm4b:s19+s1] =	stream.linear.scatter [tilespmem:s10], [sflag:$0x4], $0x4000, $0x38;
	[tilespmem:$0x12000] =	vst v63  }
0xbf: {  	_ =	swait.ge @!p0 [sflag:s18], $0x4000  }
0xc0: {  	[sflag:s18] =	ssyncset.done @!p0 $0x0  }
0xc1: {  	s16 =	sadd.s32 $0x200, s16;
	[sflag:s18] =	ssyncadd.s32 @!p0 $0xFFFFC000  }
0xc2: {  	v9 =	vld [tilespmem:s16+$0xFFFFFF00];
	_ =	sdelay $0x4  }
0xc3: {  	[tilespmem:v0+s1+$0x0] =	vst.idx.msk $0xffff, v9  }
0xc4: {  	v9 =	vld [tilespmem:s16+$0xFFFFFF10];
	_ =	sdelay $0x4  }
0xc5: {  	[tilespmem:v2+s1+$0x0] =	vst.idx.msk $0xffff, v9  }
0xc6: {  	v9 =	vld [tilespmem:s16+$0xFFFFFF20];
	_ =	sdelay $0x4  }
0xc7: {  	[tilespmem:v3+s1+$0x0] =	vst.idx.msk $0xffff, v9  }
0xc8: {  	v9 =	vld [tilespmem:s16+$0xFFFFFF30];
	_ =	sdelay $0x4  }
0xc9: {  	[tilespmem:v4+s1+$0x0] =	vst.idx.msk $0xffff, v9  }
0xca: {  	v9 =	vld [tilespmem:s16+$0xFFFFFF40];
	_ =	sdelay $0x4  }
0xcb: {  	[tilespmem:v5+s1+$0x0] =	vst.idx.msk $0xffff, v9  }
0xcc: {  	v9 =	vld [tilespmem:s16+$0xFFFFFF50];
	_ =	sdelay $0x4  }
0xcd: {  	[tilespmem:v6+s1+$0x0] =	vst.idx.msk $0xffff, v9  }
0xce: {  	v9 =	vld [tilespmem:s16+$0xFFFFFF60];
	_ =	sdelay $0x4  }
0xcf: {  	[tilespmem:v7+s1+$0x0] =	vst.idx.msk $0xffff, v9  }
0xd0: {  	v9 =	vld [tilespmem:s16+$0xFFFFFF70];
	_ =	sdelay $0x4  }
0xd1: {  	s17 =	sadd.s32 s17, s5;
	s18 =	simm.s32 @!p0 $0x2;
	[tilespmem:v8+s1+$0x0] =	vst.idx.msk $0xffff, v9  }
0xd2: {  	[hbm4b:s17+s1] =	stream.linear.scatter [tilespmem:s1], [sflag:$0x1], $0x4000, $0x38;
	[tilespmem:$0x12000] =	vst v63  }
0xd3: {  	_ =	swait.ge @!p0 [sflag:s18], $0x4000  }
0xd4: {  	[sflag:s18] =	ssyncset.done @!p0 $0x0  }
0xd5: {  	[sflag:s18] =	ssyncadd.s32 @!p0 $0xFFFFC000  }
0xd6: {  	v9 =	vld [tilespmem:s16+$0xFFFFFF80];
	_ =	sdelay $0x4  }
0xd7: {  	[tilespmem:v0+s8+$0x0] =	vst.idx.msk $0xffff, v9  }
0xd8: {  	v9 =	vld [tilespmem:s16+$0xFFFFFF90];
	_ =	sdelay $0x4  }
0xd9: {  	[tilespmem:v2+s8+$0x0] =	vst.idx.msk $0xffff, v9  }
0xda: {  	v9 =	vld [tilespmem:s16+$0xFFFFFFA0];
	_ =	sdelay $0x4  }
0xdb: {  	[tilespmem:v3+s8+$0x0] =	vst.idx.msk $0xffff, v9  }
0xdc: {  	v9 =	vld [tilespmem:s16+$0xFFFFFFB0];
	_ =	sdelay $0x4  }
0xdd: {  	[tilespmem:v4+s8+$0x0] =	vst.idx.msk $0xffff, v9  }
0xde: {  	v9 =	vld [tilespmem:s16+$0xFFFFFFC0];
	_ =	sdelay $0x4  }
0xdf: {  	[tilespmem:v5+s8+$0x0] =	vst.idx.msk $0xffff, v9  }
0xe0: {  	v9 =	vld [tilespmem:s16+$0xFFFFFFD0];
	_ =	sdelay $0x4  }
0xe1: {  	[tilespmem:v6+s8+$0x0] =	vst.idx.msk $0xffff, v9  }
0xe2: {  	v9 =	vld [tilespmem:s16+$0xFFFFFFE0];
	_ =	sdelay $0x4  }
0xe3: {  	[tilespmem:v7+s8+$0x0] =	vst.idx.msk $0xffff, v9  }
0xe4: {  	v9 =	vld [tilespmem:s16+$0xFFFFFFF0];
	_ =	sdelay $0x4  }
0xe5: {  	s29 =	sadd.s32 $0x800, s17;
	s19 =	simm.s32 @!p0 $0x3;
	[tilespmem:v8+s8+$0x0] =	vst.idx.msk $0xffff, v9  }
0xe6: {  	[hbm4b:s29+s1] =	stream.linear.scatter [tilespmem:s8], [sflag:$0x2], $0x4000, $0x38;
	[tilespmem:$0x12000] =	vst v63  }
0xe7: {  	_ =	swait.ge @!p0 [sflag:s19], $0x4000  }
0xe8: {  	[sflag:s19] =	ssyncset.done @!p0 $0x0  }
0xe9: {  	[sflag:s19] =	ssyncadd.s32 @!p0 $0xFFFFC000  }
0xea: {  	v9 =	vld [tilespmem:s16+$0x0];
	_ =	sdelay $0x4  }
0xeb: {  	[tilespmem:v0+s9+$0x0] =	vst.idx.msk $0xffff, v9  }
0xec: {  	v9 =	vld [tilespmem:s16+$0x10];
	_ =	sdelay $0x4  }
0xed: {  	[tilespmem:v2+s9+$0x0] =	vst.idx.msk $0xffff, v9  }
0xee: {  	v9 =	vld [tilespmem:s16+$0x20];
	_ =	sdelay $0x4  }
0xef: {  	[tilespmem:v3+s9+$0x0] =	vst.idx.msk $0xffff, v9  }
0xf0: {  	v9 =	vld [tilespmem:s16+$0x30];
	_ =	sdelay $0x4  }
0xf1: {  	[tilespmem:v4+s9+$0x0] =	vst.idx.msk $0xffff, v9  }
0xf2: {  	v9 =	vld [tilespmem:s16+$0x40];
	_ =	sdelay $0x4  }
0xf3: {  	[tilespmem:v5+s9+$0x0] =	vst.idx.msk $0xffff, v9  }
0xf4: {  	v9 =	vld [tilespmem:s16+$0x50];
	_ =	sdelay $0x4  }
0xf5: {  	[tilespmem:v6+s9+$0x0] =	vst.idx.msk $0xffff, v9  }
0xf6: {  	v9 =	vld [tilespmem:s16+$0x60];
	_ =	sdelay $0x4  }
0xf7: {  	[tilespmem:v7+s9+$0x0] =	vst.idx.msk $0xffff, v9  }
0xf8: {  	v9 =	vld [tilespmem:s16+$0x70];
	_ =	sdelay $0x4  }
0xf9: {  	s30 =	sadd.s32 $0x1000, s17;
	s19 =	simm.s32 @!p0 $0x4;
	[tilespmem:v8+s9+$0x0] =	vst.idx.msk $0xffff, v9  }
0xfa: {  	[hbm4b:s30+s1] =	stream.linear.scatter [tilespmem:s9], [sflag:$0x3], $0x4000, $0x38;
	[tilespmem:$0x12000] =	vst v63  }
0xfb: {  	_ =	swait.ge @!p0 [sflag:s19], $0x4000  }
0xfc: {  	[sflag:s19] =	ssyncset.done @!p0 $0x0  }
0xfd: {  	[sflag:s19] =	ssyncadd.s32 @!p0 $0xFFFFC000  }
0xfe: {  	v9 =	vld [tilespmem:s16+$0x80];
	_ =	sdelay $0x4  }
0xff: {  	[tilespmem:v0+s10+$0x0] =	vst.idx.msk $0xffff, v9  }
0x100: {  	v9 =	vld [tilespmem:s16+$0x90];
	_ =	sdelay $0x4  }
0x101: {  	[tilespmem:v2+s10+$0x0] =	vst.idx.msk $0xffff, v9  }
0x102: {  	v9 =	vld [tilespmem:s16+$0xA0];
	_ =	sdelay $0x4  }
0x103: {  	[tilespmem:v3+s10+$0x0] =	vst.idx.msk $0xffff, v9  }
0x104: {  	v9 =	vld [tilespmem:s16+$0xB0];
	_ =	sdelay $0x4  }
0x105: {  	[tilespmem:v4+s10+$0x0] =	vst.idx.msk $0xffff, v9  }
0x106: {  	v9 =	vld [tilespmem:s16+$0xC0];
	_ =	sdelay $0x4  }
0x107: {  	[tilespmem:v5+s10+$0x0] =	vst.idx.msk $0xffff, v9  }
0x108: {  	v9 =	vld [tilespmem:s16+$0xD0];
	_ =	sdelay $0x4  }
0x109: {  	[tilespmem:v6+s10+$0x0] =	vst.idx.msk $0xffff, v9  }
0x10a: {  	v9 =	vld [tilespmem:s16+$0xE0];
	_ =	sdelay $0x4  }
0x10b: {  	[tilespmem:v7+s10+$0x0] =	vst.idx.msk $0xffff, v9  }
0x10c: {  	v9 =	vld [tilespmem:s16+$0xF0];
	_ =	sdelay $0x4  }
0x10d: {  	s31 =	sadd.s32 $0x1800, s17;
	[tilespmem:v8+s10+$0x0] =	vst.idx.msk $0xffff, v9  }
0x10e: {  	[hbm4b:s31+s1] =	stream.linear.scatter [tilespmem:s10], [sflag:$0x4], $0x4000, $0x38;
	[tilespmem:$0x12000] =	vst v63  }
0x10f: {  	_ =	swait.ge [sflag:s11], $0x4000  }
0x110: {  	[sflag:s11] =	ssyncset.done $0x0  }
0x111: {  	[sflag:s11] =	ssyncadd.s32 $0xFFFFC000  }
0x112: {  	_ =	swait.ge [sflag:s12], $0x4000  }
0x113: {  	[sflag:s12] =	ssyncset.done $0x0  }
0x114: {  	s15 =	sadd.s32 $0x1, s15;
	[sflag:s12] =	ssyncadd.s32 $0xFFFFC000  }
0x115: {  	p0 =	sne.s32 s15, s4;
	_ =	swait.ge [sflag:s13], $0x4000  }
.Ltmp2:
0x116: {  	[sflag:s13] =	ssyncset.done $0x0;
	(pc) =	sbr.rel @p0 .LBB2_1-.Ltmp2, $4  }
0x117: {  	[sflag:s13] =	ssyncadd.s32 $0xFFFFC000  }
0x118: {  	_ =	swait.ge [sflag:s14], $0x4000  }
0x119: {  	[sflag:s14] =	ssyncset.done $0x0  }
0x11a: {  	[sflag:s14] =	ssyncadd.s32 $0xFFFFC000  }
0x11b: {  	_ =	sfence.sel $0x180000  }
0x11c: {  	[bflag:$0x0] =	sbarrier.arrive $0xFFFF  }
0x11d: {  	p0 =	sne.s32 s2, $0x0;
	_ =	strace $0x90000047  }
0x11e: {  	s0 =	sadd.s32 @!p0 $0x100000, s0;
	[bflag:$0x2] =	sbarrier.arrive $0xFFFF  }
0x11f: {  	[sflag:s0] =	ssyncadd.tile.s32 @!p0 $0x1;
	_ =	shalt  }
.Lfunc_end2:
_tile_overlayer_lowered:
.L_overlay_start_2:
0x120: {  	(tag) =	ssettag $0x2  }
0x121: {  	s0 =	rddreg [dreg:$0x0];
	s2 =	stileid.u32  }
0x122: {  	s1 =	rddreg [dreg:$0x1];
	p0 =	sne.s32 s2, $0x0  }
0x123: {  	s3 =	rddreg [dreg:$0x2];
	[bflag:$0x3] =	sbarrier.arrive $0xFFFF;
	s2 =	simm.s32 @!p0 $0x1C05  }
0x124: {  	[timem:s3], [sflag:s2] =	dma.local @!p0 [hbm:s0], s1  }
0x125: {  	s0 =	simm.s32 @!p0 $0x5  }
0x126: {  	_ =	swait.ge @!p0 [sflag:s0], s1  }
0x127: {  	s1 =	ssub.s32 @!p0 $0x0, s1;
	[sflag:s0] =	ssyncset.done @!p0 $0x0  }
0x128: {  	[sflag:s0] =	ssyncadd.s32 @!p0 s1  }
0x129: {  	[bflag:$0x3] =	sbarrier.arrive $0xFFFF  }
0x12a: {  	_ =	shalt  }

</sc_bundles>
